<compile_context>
chip_gen: v7x
topology: tpu7x:2x2x1
jax: 0.10.2.dev20260603
libtpu: 0.0.44.dev20260713+nightly
codegen_flags: <defaults>
</compile_context>

<pallas_src>
import functools

import jax
import jax.numpy as jnp
from jax import lax
from jax.experimental import pallas as pl
from jax.experimental.pallas import tpu as pltpu
from jax.experimental.pallas import tpu_sc as plsc


_TILE = 4096
_NC, _NS = 2, 16
_CHUNK = 128
_DPAD = 128


def _score_body(z_ref, cb_ref, idx_ref, cbn_ref):
    cb = cb_ref[...]
    k = cb.shape[0]
    norm = jnp.sqrt(jnp.sum(cb * cb, axis=1, keepdims=True))
    cbn = cb / (norm + 1e-12)
    pad = cbn_ref.shape[1] - cbn.shape[1]
    cbn_ref[...] = jnp.concatenate(
        [cbn, jnp.zeros((k, pad), jnp.float32)], axis=1)
    d = cb.shape[1]
    zb = z_ref[...].reshape(-1, d)
    znorm = jnp.sqrt(jnp.sum(zb * zb, axis=1, keepdims=True))
    zn = zb / (znorm + 1e-12)
    dist = jax.lax.dot_general(
        zn, cbn, dimension_numbers=(((1,), (1,)), ((), ())),
        preferred_element_type=jnp.float32)
    m = jnp.max(dist, axis=1, keepdims=True)
    hot = (dist == m).astype(jnp.float32)
    iota_col = jax.lax.broadcasted_iota(jnp.int32, (k, 1), 0)
    hi = (iota_col // 256).astype(jnp.float32)
    lo = (iota_col % 256).astype(jnp.float32)
    aug = jnp.concatenate([jnp.ones((k, 1), jnp.float32), hi, lo], axis=1)
    res = jnp.dot(hot, aug, preferred_element_type=jnp.float32)
    ind = res[:, 1] * 256.0 + res[:, 2]
    idx_ref[...] = ind.astype(jnp.int32).reshape(idx_ref.shape)
    cnt = res[:, 0]

    @pl.when(jnp.max(cnt) > 1.5)
    def _fixup():
        ind = jnp.argmax(dist, axis=1)
        idx_ref[...] = ind.reshape(idx_ref.shape)


def _tc_scores(z, codebook):
    b, s, d = z.shape
    rows = _TILE // s
    n = b * s
    grid = b // rows
    idx, cbn = pl.pallas_call(
        _score_body,
        grid=(grid,),
        in_specs=[
            pl.BlockSpec((rows, s, d), lambda i: (i, 0, 0)),
            pl.BlockSpec(codebook.shape, lambda i: (0, 0)),
        ],
        out_specs=[
            pl.BlockSpec((1, 1, _TILE), lambda i: (i, 0, 0)),
            pl.BlockSpec((codebook.shape[0], _DPAD), lambda i: (0, 0)),
        ],
        out_shape=[
            jax.ShapeDtypeStruct((grid, 1, _TILE), jnp.int32),
            jax.ShapeDtypeStruct((codebook.shape[0], _DPAD), jnp.float32),
        ],
        compiler_params=pltpu.CompilerParams(
            dimension_semantics=("arbitrary",)),
    )(z, codebook)
    return idx.reshape(n), cbn


def _make_sc_gather(n, dp):
    nw = _NC * _NS
    b_per_w = n // nw
    half = b_per_w // 2
    nchunks = half // _CHUNK
    mesh = plsc.VectorSubcoreMesh(
        core_axis_name="c", subcore_axis_name="s",
        num_cores=_NC, num_subcores=_NS)

    @functools.partial(
        pl.kernel, mesh=mesh,
        out_type=jax.ShapeDtypeStruct((n, dp), jnp.float32),
        scratch_types=[
            pltpu.VMEM((b_per_w,), jnp.int32),
            pltpu.VMEM((half, dp), jnp.float32),
            pltpu.SemaphoreType.DMA,
        ],
    )
    def sc_gather(table_hbm, idx_hbm, out_hbm, idx_v, rows_v, sem):
        wid = lax.axis_index("s") * _NC + lax.axis_index("c")
        base = wid * b_per_w
        pltpu.sync_copy(idx_hbm.at[pl.ds(base, b_per_w)], idx_v)
        for h in range(2):
            for c in range(nchunks):
                pltpu.async_copy(
                    table_hbm.at[idx_v.at[pl.ds((h * nchunks + c) * _CHUNK,
                                                _CHUNK)]],
                    rows_v.at[pl.ds(c * _CHUNK, _CHUNK)], sem).wait()
            pltpu.sync_copy(
                rows_v, out_hbm.at[pl.ds(base + h * half, half)])

    return sc_gather


def kernel(z, codebook):
    b, s, d = z.shape
    n = b * s
    idx, cbn_pad = _tc_scores(z, codebook)
    out = _make_sc_gather(n, _DPAD)(cbn_pad, idx)
    return out[:, :d].reshape(b, s, d)

# --- scband reference (transcript-rebuilt; emitter-appended) ---
"""Pipeline reference for scband-cosinesim-codebook-61521111547965 (READ-ONLY COPY).

The authoritative reference and input builder live on the scoring server;
editing this copy changes nothing except your own understanding.
"""

import jax, jax.numpy as jnp
import numpy as np

K_CODES = 1024
CODE_DIM = 32

def l2norm(t, eps=1e-12):
    return t / (jnp.linalg.norm(t, axis=-1, keepdims=True) + eps)

def setup_inputs(seed: int = 0) -> dict:
    key = jax.random.key(seed)
    k1, k2 = jax.random.split(key)
    z = jax.random.normal(k1, (16, 1024, CODE_DIM), dtype=jnp.float32)
    codebook = jax.random.normal(k2, (K_CODES, CODE_DIM), dtype=jnp.float32)
    return {"z": z, "codebook": codebook}

def reference(z, codebook):
    shape = z.shape
    flat = z.reshape(-1, shape[-1])
    # cosine-sim codebook: l2-normalize both inputs and codebook
    flat_n = l2norm(flat)
    embed_n = l2norm(codebook)
    # cosine similarity distance matrix [N_tokens, K]
    dist = flat_n @ embed_n.T
    # nearest code by max cosine similarity
    embed_ind = jnp.argmax(dist, axis=-1)
    # gather quantized vectors from the normalized codebook (embedding lookup)
    quantize = jnp.take(embed_n, embed_ind, axis=0)
    quantize = quantize.reshape(shape)
    # straight-through estimator
    quantize = z + jax.lax.stop_gradient(quantize - z)
    return quantize

if __name__ == "__main__":
    import jax
    _d = setup_inputs()
    print(jax.jit(kernel)(*tuple(_d.values())))

</pallas_src>

<mosaic_0001>
#map = affine_map<(d0, d1) -> (0, 0)>
#map1 = affine_map<(d0, d1) -> (0)>
module attributes {stable_mosaic.version = 14 : i64} {
  func.func @sc_gather(%arg0: i32, %arg1: i32, %arg2: memref<1024x128xf32, #tpu.memory_space<hbm>>, %arg3: memref<16384xi32, #tpu.memory_space<hbm>>, %arg4: memref<16384x128xf32, #tpu.memory_space<hbm>>, %arg5: memref<512xi32, #tpu.memory_space<vmem>>, %arg6: memref<256x128xf32, #tpu.memory_space<vmem>>, %arg7: memref<!tpu.dma_semaphore, #tpu.memory_space<semaphore_mem>>) attributes {dimension_semantics = [#tpu.dimension_semantics<core_parallel>, #tpu.dimension_semantics<subcore_parallel>], iteration_bounds = array<i64: 2, 16>, scalar_prefetch = 0 : i64, scratch_operands = 3 : i64, tpu.core_type = #tpu.core_type<sc_vector_subcore>, window_params = [{transform_indices = #map}, {transform_indices = #map1}, {transform_indices = #map}]} {
    %mul3A = arith.constant 2 : i32
    %mul3A_0 = arith.muli %arg1, %mul3A : i32
    %add3A = arith.addi %mul3A_0, %arg0 : i32
    %mul3A_1 = arith.constant 512 : i32
    %mul3A_2 = arith.muli %add3A, %mul3A_1 : i32
    "tpu.region"() ({
      %run_scoped3A = tpu.sem_alloc : memref<!tpu.dma_semaphore, #tpu.memory_space<semaphore_mem>>
      %dma_start3A_69 = tpu.memref_slice %arg3[%mul3A_2] : memref<16384xi32, #tpu.memory_space<hbm>> -> memref<512xi32, #tpu.memory_space<hbm>>
      %dma_start3A_70 = tpu.memref_slice %arg3[%mul3A_2] : memref<16384xi32, #tpu.memory_space<hbm>> -> memref<512xi32, #tpu.memory_space<hbm>>
      tpu.enqueue_dma source(%dma_start3A_70 : memref<512xi32, #tpu.memory_space<hbm>>) target(%arg5 : memref<512xi32, #tpu.memory_space<vmem>>) target_semaphore(%run_scoped3A : memref<!tpu.dma_semaphore, #tpu.memory_space<semaphore_mem>>)
      %dma_wait3A_71 = tpu.memref_slice %arg3[%mul3A_2] : memref<16384xi32, #tpu.memory_space<hbm>> -> memref<512xi32, #tpu.memory_space<hbm>>
      %dma_wait3A_72 = tpu.memref_slice %arg3[%mul3A_2] : memref<16384xi32, #tpu.memory_space<hbm>> -> memref<512xi32, #tpu.memory_space<hbm>>
      tpu.wait_dma2 semaphore(%run_scoped3A : memref<!tpu.dma_semaphore, #tpu.memory_space<semaphore_mem>>) src(%dma_wait3A_72 : memref<512xi32, #tpu.memory_space<hbm>>) dst(%arg5 : memref<512xi32, #tpu.memory_space<vmem>>)
      tpu.yield
    }) : () -> ()
    %dma_start3A = arith.constant 0 : i32
    %dma_start3A_3 = arith.constant 0 : i32
    %dma_start3A_4 = tpu.memref_slice %arg6[%dma_start3A, %dma_start3A_3] : memref<256x128xf32, #tpu.memory_space<vmem>> -> memref<128x128xf32, #tpu.memory_space<vmem>>
    %dma_start3A_5 = arith.constant 0 : i32
    %dma_start3A_6 = tpu.memref_slice %arg5[%dma_start3A_5] : memref<512xi32, #tpu.memory_space<vmem>> -> memref<128xi32, #tpu.memory_space<vmem>>
    %dma_start3A_7 = arith.constant 0 : i32
    %dma_start3A_8 = arith.constant 0 : i32
    %dma_start3A_9 = tpu.memref_slice %arg2[%dma_start3A_7, %dma_start3A_8] : memref<1024x128xf32, #tpu.memory_space<hbm>> -> memref<1024x128xf32, #tpu.memory_space<hbm>>
    tpu.enqueue_indirect_dma source(%dma_start3A_9 : memref<1024x128xf32, #tpu.memory_space<hbm>>) target(%dma_start3A_4 : memref<128x128xf32, #tpu.memory_space<vmem>>) offsets(%dma_start3A_6 : memref<128xi32, #tpu.memory_space<vmem>>) semaphore(%arg7 : memref<!tpu.dma_semaphore, #tpu.memory_space<semaphore_mem>>)
    %dma_wait3A = arith.constant 0 : i32
    %dma_wait3A_10 = arith.constant 0 : i32
    %dma_wait3A_11 = tpu.memref_slice %arg6[%dma_wait3A, %dma_wait3A_10] : memref<256x128xf32, #tpu.memory_space<vmem>> -> memref<128x128xf32, #tpu.memory_space<vmem>>
    %dma_wait3A_12 = arith.constant 0 : i32
    %dma_wait3A_13 = tpu.memref_slice %arg5[%dma_wait3A_12] : memref<512xi32, #tpu.memory_space<vmem>> -> memref<128xi32, #tpu.memory_space<vmem>>
    %dma_wait3A_14 = arith.constant 0 : i32
    %dma_wait3A_15 = arith.constant 0 : i32
    %dma_wait3A_16 = tpu.memref_slice %arg2[%dma_wait3A_14, %dma_wait3A_15] : memref<1024x128xf32, #tpu.memory_space<hbm>> -> memref<1024x128xf32, #tpu.memory_space<hbm>>
    tpu.wait_indirect_dma semaphore(%arg7 : memref<!tpu.dma_semaphore, #tpu.memory_space<semaphore_mem>>) src(%dma_wait3A_16 : memref<1024x128xf32, #tpu.memory_space<hbm>>) dst(%dma_wait3A_11 : memref<128x128xf32, #tpu.memory_space<vmem>>)
    %dma_start3A_17 = arith.constant 128 : i32
    %dma_start3A_18 = arith.constant 0 : i32
    %dma_start3A_19 = tpu.memref_slice %arg6[%dma_start3A_17, %dma_start3A_18] : memref<256x128xf32, #tpu.memory_space<vmem>> -> memref<128x128xf32, #tpu.memory_space<vmem>>
    %dma_start3A_20 = arith.constant 128 : i32
    %dma_start3A_21 = tpu.memref_slice %arg5[%dma_start3A_20] : memref<512xi32, #tpu.memory_space<vmem>> -> memref<128xi32, #tpu.memory_space<vmem>>
    %dma_start3A_22 = arith.constant 0 : i32
    %dma_start3A_23 = arith.constant 0 : i32
    %dma_start3A_24 = tpu.memref_slice %arg2[%dma_start3A_22, %dma_start3A_23] : memref<1024x128xf32, #tpu.memory_space<hbm>> -> memref<1024x128xf32, #tpu.memory_space<hbm>>
    tpu.enqueue_indirect_dma source(%dma_start3A_24 : memref<1024x128xf32, #tpu.memory_space<hbm>>) target(%dma_start3A_19 : memref<128x128xf32, #tpu.memory_space<vmem>>) offsets(%dma_start3A_21 : memref<128xi32, #tpu.memory_space<vmem>>) semaphore(%arg7 : memref<!tpu.dma_semaphore, #tpu.memory_space<semaphore_mem>>)
    %dma_wait3A_25 = arith.constant 128 : i32
    %dma_wait3A_26 = arith.constant 0 : i32
    %dma_wait3A_27 = tpu.memref_slice %arg6[%dma_wait3A_25, %dma_wait3A_26] : memref<256x128xf32, #tpu.memory_space<vmem>> -> memref<128x128xf32, #tpu.memory_space<vmem>>
    %dma_wait3A_28 = arith.constant 128 : i32
    %dma_wait3A_29 = tpu.memref_slice %arg5[%dma_wait3A_28] : memref<512xi32, #tpu.memory_space<vmem>> -> memref<128xi32, #tpu.memory_space<vmem>>
    %dma_wait3A_30 = arith.constant 0 : i32
    %dma_wait3A_31 = arith.constant 0 : i32
    %dma_wait3A_32 = tpu.memref_slice %arg2[%dma_wait3A_30, %dma_wait3A_31] : memref<1024x128xf32, #tpu.memory_space<hbm>> -> memref<1024x128xf32, #tpu.memory_space<hbm>>
    tpu.wait_indirect_dma semaphore(%arg7 : memref<!tpu.dma_semaphore, #tpu.memory_space<semaphore_mem>>) src(%dma_wait3A_32 : memref<1024x128xf32, #tpu.memory_space<hbm>>) dst(%dma_wait3A_27 : memref<128x128xf32, #tpu.memory_space<vmem>>)
    %add3A_33 = arith.constant 0 : i32
    %add3A_34 = arith.addi %mul3A_2, %add3A_33 : i32
    "tpu.region"() ({
      %run_scoped3A = tpu.sem_alloc : memref<!tpu.dma_semaphore, #tpu.memory_space<semaphore_mem>>
      %dma_start3A_69 = arith.constant 0 : i32
      %dma_start3A_70 = tpu.memref_slice %arg4[%add3A_34, %dma_start3A_69] : memref<16384x128xf32, #tpu.memory_space<hbm>> -> memref<256x128xf32, #tpu.memory_space<hbm>>
      %dma_start3A_71 = arith.constant 0 : i32
      %dma_start3A_72 = tpu.memref_slice %arg4[%add3A_34, %dma_start3A_71] : memref<16384x128xf32, #tpu.memory_space<hbm>> -> memref<256x128xf32, #tpu.memory_space<hbm>>
      tpu.enqueue_dma source(%arg6 : memref<256x128xf32, #tpu.memory_space<vmem>>) target(%dma_start3A_72 : memref<256x128xf32, #tpu.memory_space<hbm>>) target_semaphore(%run_scoped3A : memref<!tpu.dma_semaphore, #tpu.memory_space<semaphore_mem>>)
      %dma_wait3A_73 = arith.constant 0 : i32
      %dma_wait3A_74 = tpu.memref_slice %arg4[%add3A_34, %dma_wait3A_73] : memref<16384x128xf32, #tpu.memory_space<hbm>> -> memref<256x128xf32, #tpu.memory_space<hbm>>
      %dma_wait3A_75 = arith.constant 0 : i32
      %dma_wait3A_76 = tpu.memref_slice %arg4[%add3A_34, %dma_wait3A_75] : memref<16384x128xf32, #tpu.memory_space<hbm>> -> memref<256x128xf32, #tpu.memory_space<hbm>>
      tpu.wait_dma2 semaphore(%run_scoped3A : memref<!tpu.dma_semaphore, #tpu.memory_space<semaphore_mem>>) src(%arg6 : memref<256x128xf32, #tpu.memory_space<vmem>>) dst(%dma_wait3A_76 : memref<256x128xf32, #tpu.memory_space<hbm>>)
      tpu.yield
    }) : () -> ()
    %dma_start3A_35 = arith.constant 0 : i32
    %dma_start3A_36 = arith.constant 0 : i32
    %dma_start3A_37 = tpu.memref_slice %arg6[%dma_start3A_35, %dma_start3A_36] : memref<256x128xf32, #tpu.memory_space<vmem>> -> memref<128x128xf32, #tpu.memory_space<vmem>>
    %dma_start3A_38 = arith.constant 256 : i32
    %dma_start3A_39 = tpu.memref_slice %arg5[%dma_start3A_38] : memref<512xi32, #tpu.memory_space<vmem>> -> memref<128xi32, #tpu.memory_space<vmem>>
    %dma_start3A_40 = arith.constant 0 : i32
    %dma_start3A_41 = arith.constant 0 : i32
    %dma_start3A_42 = tpu.memref_slice %arg2[%dma_start3A_40, %dma_start3A_41] : memref<1024x128xf32, #tpu.memory_space<hbm>> -> memref<1024x128xf32, #tpu.memory_space<hbm>>
    tpu.enqueue_indirect_dma source(%dma_start3A_42 : memref<1024x128xf32, #tpu.memory_space<hbm>>) target(%dma_start3A_37 : memref<128x128xf32, #tpu.memory_space<vmem>>) offsets(%dma_start3A_39 : memref<128xi32, #tpu.memory_space<vmem>>) semaphore(%arg7 : memref<!tpu.dma_semaphore, #tpu.memory_space<semaphore_mem>>)
    %dma_wait3A_43 = arith.constant 0 : i32
    %dma_wait3A_44 = arith.constant 0 : i32
    %dma_wait3A_45 = tpu.memref_slice %arg6[%dma_wait3A_43, %dma_wait3A_44] : memref<256x128xf32, #tpu.memory_space<vmem>> -> memref<128x128xf32, #tpu.memory_space<vmem>>
    %dma_wait3A_46 = arith.constant 256 : i32
    %dma_wait3A_47 = tpu.memref_slice %arg5[%dma_wait3A_46] : memref<512xi32, #tpu.memory_space<vmem>> -> memref<128xi32, #tpu.memory_space<vmem>>
    %dma_wait3A_48 = arith.constant 0 : i32
    %dma_wait3A_49 = arith.constant 0 : i32
    %dma_wait3A_50 = tpu.memref_slice %arg2[%dma_wait3A_48, %dma_wait3A_49] : memref<1024x128xf32, #tpu.memory_space<hbm>> -> memref<1024x128xf32, #tpu.memory_space<hbm>>
    tpu.wait_indirect_dma semaphore(%arg7 : memref<!tpu.dma_semaphore, #tpu.memory_space<semaphore_mem>>) src(%dma_wait3A_50 : memref<1024x128xf32, #tpu.memory_space<hbm>>) dst(%dma_wait3A_45 : memref<128x128xf32, #tpu.memory_space<vmem>>)
    %dma_start3A_51 = arith.constant 128 : i32
    %dma_start3A_52 = arith.constant 0 : i32
    %dma_start3A_53 = tpu.memref_slice %arg6[%dma_start3A_51, %dma_start3A_52] : memref<256x128xf32, #tpu.memory_space<vmem>> -> memref<128x128xf32, #tpu.memory_space<vmem>>
    %dma_start3A_54 = arith.constant 384 : i32
    %dma_start3A_55 = tpu.memref_slice %arg5[%dma_start3A_54] : memref<512xi32, #tpu.memory_space<vmem>> -> memref<128xi32, #tpu.memory_space<vmem>>
    %dma_start3A_56 = arith.constant 0 : i32
    %dma_start3A_57 = arith.constant 0 : i32
    %dma_start3A_58 = tpu.memref_slice %arg2[%dma_start3A_56, %dma_start3A_57] : memref<1024x128xf32, #tpu.memory_space<hbm>> -> memref<1024x128xf32, #tpu.memory_space<hbm>>
    tpu.enqueue_indirect_dma source(%dma_start3A_58 : memref<1024x128xf32, #tpu.memory_space<hbm>>) target(%dma_start3A_53 : memref<128x128xf32, #tpu.memory_space<vmem>>) offsets(%dma_start3A_55 : memref<128xi32, #tpu.memory_space<vmem>>) semaphore(%arg7 : memref<!tpu.dma_semaphore, #tpu.memory_space<semaphore_mem>>)
    %dma_wait3A_59 = arith.constant 128 : i32
    %dma_wait3A_60 = arith.constant 0 : i32
    %dma_wait3A_61 = tpu.memref_slice %arg6[%dma_wait3A_59, %dma_wait3A_60] : memref<256x128xf32, #tpu.memory_space<vmem>> -> memref<128x128xf32, #tpu.memory_space<vmem>>
    %dma_wait3A_62 = arith.constant 384 : i32
    %dma_wait3A_63 = tpu.memref_slice %arg5[%dma_wait3A_62] : memref<512xi32, #tpu.memory_space<vmem>> -> memref<128xi32, #tpu.memory_space<vmem>>
    %dma_wait3A_64 = arith.constant 0 : i32
    %dma_wait3A_65 = arith.constant 0 : i32
    %dma_wait3A_66 = tpu.memref_slice %arg2[%dma_wait3A_64, %dma_wait3A_65] : memref<1024x128xf32, #tpu.memory_space<hbm>> -> memref<1024x128xf32, #tpu.memory_space<hbm>>
    tpu.wait_indirect_dma semaphore(%arg7 : memref<!tpu.dma_semaphore, #tpu.memory_space<semaphore_mem>>) src(%dma_wait3A_66 : memref<1024x128xf32, #tpu.memory_space<hbm>>) dst(%dma_wait3A_61 : memref<128x128xf32, #tpu.memory_space<vmem>>)
    %add3A_67 = arith.constant 256 : i32
    %add3A_68 = arith.addi %mul3A_2, %add3A_67 : i32
    "tpu.region"() ({
      %run_scoped3A = tpu.sem_alloc : memref<!tpu.dma_semaphore, #tpu.memory_space<semaphore_mem>>
      %dma_start3A_69 = arith.constant 0 : i32
      %dma_start3A_70 = tpu.memref_slice %arg4[%add3A_68, %dma_start3A_69] : memref<16384x128xf32, #tpu.memory_space<hbm>> -> memref<256x128xf32, #tpu.memory_space<hbm>>
      %dma_start3A_71 = arith.constant 0 : i32
      %dma_start3A_72 = tpu.memref_slice %arg4[%add3A_68, %dma_start3A_71] : memref<16384x128xf32, #tpu.memory_space<hbm>> -> memref<256x128xf32, #tpu.memory_space<hbm>>
      tpu.enqueue_dma source(%arg6 : memref<256x128xf32, #tpu.memory_space<vmem>>) target(%dma_start3A_72 : memref<256x128xf32, #tpu.memory_space<hbm>>) target_semaphore(%run_scoped3A : memref<!tpu.dma_semaphore, #tpu.memory_space<semaphore_mem>>)
      %dma_wait3A_73 = arith.constant 0 : i32
      %dma_wait3A_74 = tpu.memref_slice %arg4[%add3A_68, %dma_wait3A_73] : memref<16384x128xf32, #tpu.memory_space<hbm>> -> memref<256x128xf32, #tpu.memory_space<hbm>>
      %dma_wait3A_75 = arith.constant 0 : i32
      %dma_wait3A_76 = tpu.memref_slice %arg4[%add3A_68, %dma_wait3A_75] : memref<16384x128xf32, #tpu.memory_space<hbm>> -> memref<256x128xf32, #tpu.memory_space<hbm>>
      tpu.wait_dma2 semaphore(%run_scoped3A : memref<!tpu.dma_semaphore, #tpu.memory_space<semaphore_mem>>) src(%arg6 : memref<256x128xf32, #tpu.memory_space<vmem>>) dst(%dma_wait3A_76 : memref<256x128xf32, #tpu.memory_space<hbm>>)
      tpu.yield
    }) : () -> ()
    return
  }
}

module attributes {stable_mosaic.version = 14 : i64} {
  func.func @_score_body(%arg0: i32, %arg1: memref<4x1024x32xf32, #tpu.memory_space<vmem>>, %arg2: memref<1024x32xf32, #tpu.memory_space<vmem>>, %arg3: memref<1x1x4096xi32, #tpu.memory_space<vmem>>, %arg4: memref<1024x128xf32, #tpu.memory_space<vmem>>) attributes {dimension_semantics = [#tpu.dimension_semantics<arbitrary>], iteration_bounds = array<i64: 4>, scalar_prefetch = 0 : i64, scratch_operands = 0 : i64, tpu.core_type = #tpu.core_type<tc>, window_params = [{transform_indices = @transform_0, window_bounds = array<i64: 4, 1024, 32>}, {pipeline_mode = #tpu.pipeline_mode<synchronous>, transform_indices = @transform_1, window_bounds = array<i64: 1024, 32>}, {transform_indices = @transform_2, window_bounds = array<i64: 1, 1, 4096>}, {pipeline_mode = #tpu.pipeline_mode<synchronous>, transform_indices = @transform_3, window_bounds = array<i64: 1024, 128>}]} {
    %get3A = arith.constant 0 : index
    %get3A_0 = arith.constant 0 : index
    %get3A_1 = vector.load %arg2[%get3A, %get3A_0] : memref<1024x32xf32, #tpu.memory_space<vmem>>, vector<1024x32xf32>
    %mul3A = arith.mulf %get3A_1, %get3A_1 : vector<1024x32xf32>
    %reduce_sum3A = arith.constant dense<0.000000e+00> : vector<1024xf32>
    %reduce_sum3A_2 = vector.multi_reduction <add>, %mul3A, %reduce_sum3A [1] : vector<1024x32xf32> to vector<1024xf32>
    %broadcast_in_dim3A = vector.shape_cast %reduce_sum3A_2 : vector<1024xf32> to vector<1024x1xf32>
    %sqrt3A = math.sqrt %broadcast_in_dim3A : vector<1024x1xf32>
    %add3A = arith.constant 9.99999996E-13 : f32
    %add3A_3 = vector.broadcast %add3A : f32 to vector<1024x1xf32>
    %add3A_4 = arith.addf %sqrt3A, %add3A_3 : vector<1024x1xf32>
    %div3A = vector.broadcast %add3A_4 : vector<1024x1xf32> to vector<1024x32xf32>
    %div3A_5 = arith.divf %get3A_1, %div3A : vector<1024x32xf32>
    %broadcast_in_dim3A_6 = arith.constant 0.000000e+00 : f32
    %broadcast_in_dim3A_7 = vector.broadcast %broadcast_in_dim3A_6 : f32 to vector<1024x96xf32>
    %concatenate3A = tpu.concatenate %div3A_5, %broadcast_in_dim3A_7 in 1 : vector<1024x32xf32>, vector<1024x96xf32> -> vector<1024x128xf32>
    %swap3A = arith.constant 0 : index
    %swap3A_8 = arith.constant 0 : index
    %swap3A_9 = vector.load %arg4[%swap3A, %swap3A_8] : memref<1024x128xf32, #tpu.memory_space<vmem>>, vector<1024x128xf32>
    tpu.vector_store %arg4[%swap3A, %swap3A_8], %concatenate3A {strides = array<i32>} : memref<1024x128xf32, #tpu.memory_space<vmem>>, vector<1024x128xf32>,
    %get3A_10 = arith.constant 0 : index
    %get3A_11 = arith.constant 0 : index
    %get3A_12 = arith.constant 0 : index
    %get3A_13 = vector.load %arg1[%get3A_10, %get3A_11, %get3A_12] : memref<4x1024x32xf32, #tpu.memory_space<vmem>>, vector<4x1024x32xf32>
    %reshape3A = vector.shape_cast %get3A_13 : vector<4x1024x32xf32> to vector<4096x32xf32>
    %mul3A_14 = arith.mulf %reshape3A, %reshape3A : vector<4096x32xf32>
    %reduce_sum3A_15 = arith.constant dense<0.000000e+00> : vector<4096xf32>
    %reduce_sum3A_16 = vector.multi_reduction <add>, %mul3A_14, %reduce_sum3A_15 [1] : vector<4096x32xf32> to vector<4096xf32>
    %broadcast_in_dim3A_17 = vector.shape_cast %reduce_sum3A_16 : vector<4096xf32> to vector<4096x1xf32>
    %sqrt3A_18 = math.sqrt %broadcast_in_dim3A_17 : vector<4096x1xf32>
    %add3A_19 = arith.constant 9.99999996E-13 : f32
    %add3A_20 = vector.broadcast %add3A_19 : f32 to vector<4096x1xf32>
    %add3A_21 = arith.addf %sqrt3A_18, %add3A_20 : vector<4096x1xf32>
    %div3A_22 = vector.broadcast %add3A_21 : vector<4096x1xf32> to vector<4096x32xf32>
    %div3A_23 = arith.divf %reshape3A, %div3A_22 : vector<4096x32xf32>
    %dot_general3A = arith.constant dense<0.000000e+00> : vector<4096x1024xf32>
    %dot_general3A_24 = tpu.matmul %div3A_23, %div3A_5, %dot_general3A {dimension_numbers = #tpu.dot_dimension_numbers<[1], [1], [0], [0], [0, 0, 1, 0], [], []>, transpose_lhs_hint = false} : vector<4096x32xf32>, vector<1024x32xf32>, vector<4096x1024xf32> -> vector<4096x1024xf32>
    %reduce_max3A = arith.constant dense<0xFF800000> : vector<4096xf32>
    %reduce_max3A_25 = vector.multi_reduction <maximumf>, %dot_general3A_24, %reduce_max3A [1] : vector<4096x1024xf32> to vector<4096xf32>
    %broadcast_in_dim3A_26 = vector.shape_cast %reduce_max3A_25 : vector<4096xf32> to vector<4096x1xf32>
    %eq3A = vector.broadcast %broadcast_in_dim3A_26 : vector<4096x1xf32> to vector<4096x1024xf32>
    %eq3A_27 = arith.cmpf oeq, %dot_general3A_24, %eq3A : vector<4096x1024xf32>
    %convert_element_type3A = arith.extui %eq3A_27 : vector<4096x1024xi1> to vector<4096x1024xi32>
    %convert_element_type3A_28 = arith.sitofp %convert_element_type3A : vector<4096x1024xi32> to vector<4096x1024xf32>
    %iota3A = tpu.iota {dimensions = array<i32: 0>} : vector<1024x1xi32>
    %jit3A = arith.constant 256 : i32
    %div3A_29 = vector.broadcast %jit3A : i32 to vector<1024x1xi32>
    %div3A_30 = arith.divsi %iota3A, %div3A_29 : vector<1024x1xi32>
    %sign3A = arith.constant 0 : i32
    %sign3A_31 = vector.broadcast %sign3A : i32 to vector<1024x1xi32>
    %sign3A_32 = arith.cmpi sgt, %iota3A, %sign3A_31 : vector<1024x1xi32>
    %sign3A_33 = arith.extui %sign3A_32 : vector<1024x1xi1> to vector<1024x1xi32>
    %sign3A_34 = arith.constant 0 : i32
    %sign3A_35 = vector.broadcast %sign3A_34 : i32 to vector<1024x1xi32>
    %sign3A_36 = arith.cmpi slt, %iota3A, %sign3A_35 : vector<1024x1xi32>
    %sign3A_37 = arith.extui %sign3A_36 : vector<1024x1xi1> to vector<1024x1xi32>
    %sign3A_38 = arith.subi %sign3A_33, %sign3A_37 : vector<1024x1xi32>
    %sign3A_39 = arith.constant 0 : i32
    %sign3A_40 = arith.cmpi sgt, %jit3A, %sign3A_39 : i32
    %sign3A_41 = arith.extui %sign3A_40 : i1 to i32
    %sign3A_42 = arith.constant 0 : i32
    %sign3A_43 = arith.cmpi slt, %jit3A, %sign3A_42 : i32
    %sign3A_44 = arith.extui %sign3A_43 : i1 to i32
    %sign3A_45 = arith.subi %sign3A_41, %sign3A_44 : i32
    %ne3A = vector.broadcast %sign3A_45 : i32 to vector<1024x1xi32>
    %ne3A_46 = arith.cmpi ne, %sign3A_38, %ne3A : vector<1024x1xi32>
    %rem3A = vector.broadcast %jit3A : i32 to vector<1024x1xi32>
    %rem3A_47 = arith.remsi %iota3A, %rem3A : vector<1024x1xi32>
    %ne3A_48 = arith.constant 0 : i32
    %ne3A_49 = vector.broadcast %ne3A_48 : i32 to vector<1024x1xi32>
    %ne3A_50 = arith.cmpi ne, %rem3A_47, %ne3A_49 : vector<1024x1xi32>
    %and3A = arith.andi %ne3A_46, %ne3A_50 : vector<1024x1xi1>
    %sub3A = arith.constant 1 : i32
    %sub3A_51 = vector.broadcast %sub3A : i32 to vector<1024x1xi32>
    %sub3A_52 = arith.subi %div3A_30, %sub3A_51 : vector<1024x1xi32>
    %select_n3A = arith.select %and3A, %sub3A_52, %div3A_30 : vector<1024x1xi1>, vector<1024x1xi32>
    %convert_element_type3A_53 = arith.sitofp %select_n3A : vector<1024x1xi32> to vector<1024x1xf32>
    %jit3A_54 = arith.constant 256 : i32
    %eq3A_55 = arith.constant 0 : i32
    %eq3A_56 = arith.cmpi eq, %jit3A_54, %eq3A_55 : i32
    %jit3A_57 = arith.constant 1 : i32
    %select_n3A_58 = arith.select %eq3A_56, %jit3A_57, %jit3A_54 : i32
    %rem3A_59 = vector.broadcast %select_n3A_58 : i32 to vector<1024x1xi32>
    %rem3A_60 = arith.remsi %iota3A, %rem3A_59 : vector<1024x1xi32>
    %ne3A_61 = arith.constant 0 : i32
    %ne3A_62 = vector.broadcast %ne3A_61 : i32 to vector<1024x1xi32>
    %ne3A_63 = arith.cmpi ne, %rem3A_60, %ne3A_62 : vector<1024x1xi32>
    %lt3A = arith.constant 0 : i32
    %lt3A_64 = vector.broadcast %lt3A : i32 to vector<1024x1xi32>
    %lt3A_65 = arith.cmpi slt, %rem3A_60, %lt3A_64 : vector<1024x1xi32>
    %lt3A_66 = arith.constant 0 : i32
    %lt3A_67 = arith.cmpi slt, %select_n3A_58, %lt3A_66 : i32
    %ne3A_68 = vector.broadcast %lt3A_67 : i1 to vector<1024x1xi1>
    %ne3A_69 = vector.broadcast %ne3A_68 : vector<1024x1xi1> to vector<1024x1xi1>
    %ne3A_70 = arith.xori %lt3A_65, %ne3A_69 : vector<1024x1xi1>
    %and3A_71 = arith.andi %ne3A_70, %ne3A_63 : vector<1024x1xi1>
    %add3A_72 = vector.broadcast %select_n3A_58 : i32 to vector<1024x1xi32>
    %add3A_73 = arith.addi %rem3A_60, %add3A_72 : vector<1024x1xi32>
    %select_n3A_74 = arith.select %and3A_71, %add3A_73, %rem3A_60 : vector<1024x1xi1>, vector<1024x1xi32>
    %convert_element_type3A_75 = arith.sitofp %select_n3A_74 : vector<1024x1xi32> to vector<1024x1xf32>
    %broadcast_in_dim3A_76 = arith.constant 1.000000e+00 : f32
    %broadcast_in_dim3A_77 = vector.broadcast %broadcast_in_dim3A_76 : f32 to vector<1024x1xf32>
    %concatenate3A_78 = tpu.concatenate %broadcast_in_dim3A_77, %convert_element_type3A_53, %convert_element_type3A_75 in 1 : vector<1024x1xf32>, vector<1024x1xf32>, vector<1024x1xf32> -> vector<1024x3xf32>
    %dot_general3A_79 = arith.constant dense<0.000000e+00> : vector<4096x3xf32>
    %dot_general3A_80 = tpu.matmul %convert_element_type3A_28, %concatenate3A_78, %dot_general3A_79 {dimension_numbers = #tpu.dot_dimension_numbers<[1], [0], [0], [1], [0, 0, 1, 1], [], []>, transpose_lhs_hint = false} : vector<4096x1024xf32>, vector<1024x3xf32>, vector<4096x3xf32> -> vector<4096x3xf32>
    %slice3A = vector.extract_strided_slice %dot_general3A_80 {offsets = [0, 1], sizes = [4096, 1], strides = [1, 1]} : vector<4096x3xf32> to vector<4096x1xf32>
    %squeeze3A = vector.shape_cast %slice3A : vector<4096x1xf32> to vector<4096xf32>
    %mul3A_81 = arith.constant 2.560000e+02 : f32
    %mul3A_82 = vector.broadcast %mul3A_81 : f32 to vector<4096xf32>
    %mul3A_83 = arith.mulf %squeeze3A, %mul3A_82 : vector<4096xf32>
    %slice3A_84 = vector.extract_strided_slice %dot_general3A_80 {offsets = [0, 2], sizes = [4096, 1], strides = [1, 1]} : vector<4096x3xf32> to vector<4096x1xf32>
    %squeeze3A_85 = vector.shape_cast %slice3A_84 : vector<4096x1xf32> to vector<4096xf32>
    %add3A_86 = arith.addf %mul3A_83, %squeeze3A_85 : vector<4096xf32>
    %convert_element_type3A_87 = arith.fptosi %add3A_86 : vector<4096xf32> to vector<4096xi32>
    %reshape3A_88 = vector.shape_cast %convert_element_type3A_87 : vector<4096xi32> to vector<1x1x4096xi32>
    %swap3A_89 = arith.constant 0 : index
    %swap3A_90 = arith.constant 0 : index
    %swap3A_91 = arith.constant 0 : index
    %swap3A_92 = vector.load %arg3[%swap3A_89, %swap3A_90, %swap3A_91] : memref<1x1x4096xi32, #tpu.memory_space<vmem>>, vector<1x1x4096xi32>
    tpu.vector_store %arg3[%swap3A_89, %swap3A_90, %swap3A_91], %reshape3A_88 {strides = array<i32>} : memref<1x1x4096xi32, #tpu.memory_space<vmem>>, vector<1x1x4096xi32>,
    %slice3A_93 = vector.extract_strided_slice %dot_general3A_80 {offsets = [0, 0], sizes = [4096, 1], strides = [1, 1]} : vector<4096x3xf32> to vector<4096x1xf32>
    %squeeze3A_94 = vector.shape_cast %slice3A_93 : vector<4096x1xf32> to vector<4096xf32>
    %reduce_max3A_95 = vector.shape_cast %squeeze3A_94 : vector<4096xf32> to vector<1x4096xf32>
    %reduce_max3A_96 = arith.constant dense<0xFF800000> : vector<1xf32>
    %reduce_max3A_97 = vector.multi_reduction <maximumf>, %reduce_max3A_95, %reduce_max3A_96 [1] : vector<1x4096xf32> to vector<1xf32>
    %reduce_max3A_98 = vector.shape_cast %reduce_max3A_97 : vector<1xf32> to vector<1x1xf32>
    %reduce_max3A_99 = vector.extract %reduce_max3A_98[0, 0] : f32 from vector<1x1xf32>
    %gt3A = arith.constant 1.500000e+00 : f32
    %gt3A_100 = arith.cmpf ogt, %reduce_max3A_99, %gt3A : f32
    %convert_element_type3A_101 = arith.extui %gt3A_100 : i1 to i32
    %cond3A = arith.constant 0 : i32
    %cond3A_102 = arith.cmpi ne, %convert_element_type3A_101, %cond3A : i32
    scf.if %cond3A_102 {
      %argmax3A = tpu.reduce_index %dot_general3A_24 {axis = 1 : i32, kind = #tpu.reduction_kind<arg_max>} : vector<4096x1024xf32> -> vector<4096xi32>
      %reshape3A_103 = vector.shape_cast %argmax3A : vector<4096xi32> to vector<1x1x4096xi32>
      %swap3A_104 = arith.constant 0 : index
      %swap3A_105 = arith.constant 0 : index
      %swap3A_106 = arith.constant 0 : index
      %swap3A_107 = vector.load %arg3[%swap3A_104, %swap3A_105, %swap3A_106] : memref<1x1x4096xi32, #tpu.memory_space<vmem>>, vector<1x1x4096xi32>
      tpu.vector_store %arg3[%swap3A_104, %swap3A_105, %swap3A_106], %reshape3A_103 {strides = array<i32>} : memref<1x1x4096xi32, #tpu.memory_space<vmem>>, vector<1x1x4096xi32>,
    } else {
    }
    return
  }
  func.func @transform_0(%arg0: i32) -> (i32, i32, i32) {
    %c0_i32 = arith.constant 0 : i32
    %c0_i32_0 = arith.constant 0 : i32
    %c0_i32_1 = arith.constant 0 : i32
    return %arg0, %c0_i32, %c0_i32_0 : i32, i32, i32
  }
  func.func @transform_1(%arg0: i32) -> (i32, i32) {
    %c0_i32 = arith.constant 0 : i32
    %c0_i32_0 = arith.constant 0 : i32
    %c0_i32_1 = arith.constant 0 : i32
    return %c0_i32, %c0_i32_0 : i32, i32
  }
  func.func @transform_2(%arg0: i32) -> (i32, i32, i32) {
    %c0_i32 = arith.constant 0 : i32
    %c0_i32_0 = arith.constant 0 : i32
    %c0_i32_1 = arith.constant 0 : i32
    return %arg0, %c0_i32, %c0_i32_0 : i32, i32, i32
  }
  func.func @transform_3(%arg0: i32) -> (i32, i32) {
    %c0_i32 = arith.constant 0 : i32
    %c0_i32_0 = arith.constant 0 : i32
    %c0_i32_1 = arith.constant 0 : i32
    return %c0_i32, %c0_i32_0 : i32, i32
  }
}

</mosaic_0001>

<sc_bundles>
// kernel: kernel.4.cloned.1.call-start
scs
__scs_entry_jumppad:
0x0: {  	(pc) =	sbr.rel $0x88, $3  }
0x1: {  	(tag) =	ssettag $0x0;
	lr =	simm.s32 $0x1  }
0x2: {  	[smem:$0x3F9F] =	sst lr;
	_ =	strace $0xD0000000  }
0x3: {  	_ = 	snop  }
0x4: {  	_ = 	snop  }
0x5: {  	_ = 	snop  }
0x6: {  	_ = 	snop  }
0x7: {  	_ = 	snop  }
__scs_overlays_trampoline_lowered:
0x8: {  	[smem:$0x3FAE] =	sst s0  }
0x9: {  	[smem:$0x3FAF] =	sst s1  }
0xa: {  	[smem:$0x3FB0] =	sst s2  }
0xb: {  	[smem:$0x3FB1] =	sst s3  }
0xc: {  	[smem:$0x3FB2] =	sst s4  }
0xd: {  	[smem:$0x3FB3] =	sst s5  }
0xe: {  	[smem:$0x3FB4] =	sst s6  }
0xf: {  	[smem:$0x3FB5] =	sst s7  }
0x10: {  	[smem:$0x3FB6] =	sst s8  }
0x11: {  	[smem:$0x3FB7] =	sst s9;
	s0 =	simm.s32 @!p0 $0x0  }
0x12: {  	s1 =	sld [smem:$0x3F9D];
	s0 =	simm.s32 @p0 $0x1  }
0x13: {  	[smem:$0x3FB8] =	sst s0;
	s0 =	simm.s32 @!p1 $0x0  }
0x14: {  	s2 =	sld [smem:$0x3F9C];
	s0 =	simm.s32 @p1 $0x1  }
0x15: {  	[smem:$0x3FB9] =	sst s0;
	s0 =	simm.s32 @!p2 $0x0  }
0x16: {  	s3 =	sld [smem:$0x3FDB];
	s0 =	simm.s32 @p2 $0x1  }
0x17: {  	s4 =	simm.s32 $0x1BF5;
	[smem:$0x3FBB] =	sst s0  }
0x18: {  	s0 =	sld [smem:$0x3F9E];
	_ =	swait.ge [sflag:s4], $0x0  }
0x19: {  	s7 =	sld [smem:$0x3F9F]  }
0x1a: {  	s8 =	sadd.s32 $0xFFFFE003, lr  }
0x1b: {  	s9 =	sadd.s32 $0xFFFFFEF7, lr;
	s5 =	simm.s32 $0xFFFFFFFF;
	p2 =	slt.u32 s8, $0xFFFFF086  }
0x1c: {  	p1 =	slt.u32 s9, $0xF7A;
	s5 =	simm.s32 @!p2 $0x0  }
0x1d: {  	s5 =	simm.s32 @p1 $0x1;
	p0 =	seq.s32 s7, s2  }
0x1e: {  	s7 =	smul.u32 @!p0 $0xF7A, s2;
	p2 =	seq.s32 @!p0 s5, $0x0  }
0x1f: {  	s9 =	smul.u32 $0xF7A, s1;
	s8 =	simm.s32 @!p0 $0x1BF5;
	p2 =	por !p2, p0  }
0x20: {  	[sflag:s8] =	ssyncset.s32 @!p0 $0xFFFFF086;
	s6 =	sadd.s32 @!p0 s3, s7;
	s7 =	simm.s32 @!p0 $0x108  }
0x21: {  	s3 =	sadd.s32 s3, s9;
	s6 =	sadd.s32 @!p0 $0x88, s6;
	s7 =	simm.s32 @p2 $0x1082  }
0x22: {  	[simem:s7], [sflag:s8] =	dma.local @!p0 [hbm:s6], $0xF7A  }
0x23: {  	s9 =	sor.u32 $0xD0000000, s2;
	s6 =	simm.s32 $0x108;
	_ =	swait.ge @!p0 [sflag:s8], $0x0  }
0x24: {  	s3 =	sadd.s32 $0x88, s3;
	s6 =	simm.s32 @!p1 $0x1082;
	[sflag:s4] =	ssyncset.s32 $0xFFFFF086  }
0x25: {  	[simem:s6], [sflag:s4] =	dma.local [hbm:s3], $0xF7A  }
0x26: {  	[smem:$0x3F9F] =	sst s1;
	(tag) =	ssettag s2;
	_ =	strace s9  }
0x27: {  	s1 =	sld [smem:$0x3FAF]  }
0x28: {  	s2 =	sld [smem:$0x3FB0]  }
0x29: {  	s4 =	sld [smem:$0x3FB2]  }
0x2a: {  	p0 =	seq.s32 s5, $0x0;
	s5 =	sld [smem:$0x3FB3]  }
0x2b: {  	s6 =	sld [smem:$0x3FB4]  }
0x2c: {  	s7 =	sld [smem:$0x3FB5]  }
0x2d: {  	s3 =	simm.s32 $0x108;
	s8 =	sld [smem:$0x3FB6]  }
0x2e: {  	s3 =	simm.s32 @!p0 $0x1082;
	s9 =	sld [smem:$0x3FB7]  }
0x2f: {  	lr =	sadd.s32 s0, s3;
	s0 =	sld [smem:$0x3FAE]  }
0x30: {  	s3 =	sld [smem:$0x3FB1]  }
0x31: {  	[smem:$0x3FBA] =	sst s10  }
0x32: {  	s10 =	sld [smem:$0x3FB8];
	_ =	sdelay $0x3  }
0x33: {  	p0 =	seq.s32 s10, $0x1;
	s10 =	sld [smem:$0x3FBA];
	_ =	sdelay $0x3  }
0x34: {  	[smem:$0x3FBA] =	sst s10  }
0x35: {  	s10 =	sld [smem:$0x3FB9];
	_ =	sdelay $0x3  }
0x36: {  	p1 =	seq.s32 s10, $0x1;
	s10 =	sld [smem:$0x3FBA];
	_ =	sdelay $0x3  }
0x37: {  	[smem:$0x3FBA] =	sst s10  }
0x38: {  	s10 =	sld [smem:$0x3FBB]  }
0x39: {  	_ = 	snop;
	(pc) =	sbr.ind lr, $3  }
0x3a: {  	_ = 	snop  }
0x3b: {  	_ = 	snop  }
0x3c: {  	p2 =	seq.s32 s10, $0x1;
	s10 =	sld [smem:$0x3FBA]  }
0x3d: {  	_ =	shalt  }
0x3e: {  	_ =	shalt  }
0x3f: {  	_ =	shalt  }
0x40: {  	_ =	shalt  }
0x41: {  	_ =	shalt  }
0x42: {  	_ =	shalt  }
0x43: {  	_ =	shalt  }
0x44: {  	_ =	shalt  }
0x45: {  	_ =	shalt  }
0x46: {  	_ =	shalt  }
0x47: {  	_ =	shalt  }
0x48: {  	_ =	shalt  }
0x49: {  	_ =	shalt  }
0x4a: {  	_ =	shalt  }
0x4b: {  	_ =	shalt  }
0x4c: {  	_ =	shalt  }
0x4d: {  	_ =	shalt  }
0x4e: {  	_ =	shalt  }
0x4f: {  	_ =	shalt  }
0x50: {  	_ =	shalt  }
0x51: {  	_ =	shalt  }
0x52: {  	_ =	shalt  }
0x53: {  	_ =	shalt  }
0x54: {  	_ =	shalt  }
0x55: {  	_ =	shalt  }
0x56: {  	_ =	shalt  }
0x57: {  	_ =	shalt  }
0x58: {  	_ =	shalt  }
0x59: {  	_ =	shalt  }
0x5a: {  	_ =	shalt  }
0x5b: {  	_ =	shalt  }
0x5c: {  	_ =	shalt  }
0x5d: {  	_ =	shalt  }
0x5e: {  	_ =	shalt  }
0x5f: {  	_ =	shalt  }
0x60: {  	_ =	shalt  }
0x61: {  	_ =	shalt  }
0x62: {  	_ =	shalt  }
0x63: {  	_ =	shalt  }
0x64: {  	_ =	shalt  }
0x65: {  	_ =	shalt  }
0x66: {  	_ =	shalt  }
0x67: {  	_ =	shalt  }
0x68: {  	_ =	shalt  }
0x69: {  	_ =	shalt  }
0x6a: {  	_ =	shalt  }
0x6b: {  	_ =	shalt  }
0x6c: {  	_ =	shalt  }
0x6d: {  	_ =	shalt  }
0x6e: {  	_ =	shalt  }
0x6f: {  	_ =	shalt  }
0x70: {  	_ =	shalt  }
0x71: {  	_ =	shalt  }
0x72: {  	_ =	shalt  }
0x73: {  	_ =	shalt  }
0x74: {  	_ =	shalt  }
0x75: {  	_ =	shalt  }
0x76: {  	_ =	shalt  }
0x77: {  	_ =	shalt  }
0x78: {  	_ =	shalt  }
0x79: {  	_ =	shalt  }
0x7a: {  	_ =	shalt  }
0x7b: {  	_ =	shalt  }
0x7c: {  	_ =	shalt  }
0x7d: {  	_ =	shalt  }
0x7e: {  	_ =	shalt  }
0x7f: {  	_ =	shalt  }
0x80: {  	_ =	shalt  }
0x81: {  	_ =	shalt  }
0x82: {  	_ =	shalt  }
0x83: {  	_ =	shalt  }
0x84: {  	_ =	shalt  }
0x85: {  	_ =	shalt  }
0x86: {  	_ =	shalt  }
0x87: {  	_ =	shalt  }
.Lfunc_end0:
.L_simem_size_0:
called_computation_lowered:
.L_overlay_start_0:
0x88: {  	s2 =	sld [smem:$0x3FD9]  }
0x89: {  	s3 =	sld [smem:$0x3FFE];
	_ =	sdelay $0x1  }
0x8a: {  	s1 =	srdreg.scid  }
0x8b: {  	s0 =	sand.u32 $0x1, s1  }
0x8c: {  	s17 =	sshll.u32 s0, $0xA;
	s2 =	sadd.s32 s3, s2  }
0x8d: {  	s2 =	sadd.s32 s2, s17  }
0x8e: {  	[smem:$0x3FC6] =	sst s2  }
0x8f: {  	_ = 	snop  }
0x90: {  	s2 =	sld [smem:$0x3FD0];
	(tm) =	ssettm $0x1  }
0x91: {  	s18 =	sld [smem:$0x3FFB];
	_ =	sdelay $0x3  }
0x92: {  	_ =	strace s18  }
0x93: {  	s3 =	sld [smem:$0x3FFC];
	_ =	sdelay $0x3  }
0x94: {  	_ =	strace s3  }
0x95: {  	s3 =	sld [smem:$0x3FFD];
	_ =	sdelay $0x3  }
0x96: {  	_ =	strace s3  }
0x97: {  	_ =	strace $0x8FFFFFFF  }
0x98: {  	s19 =	sld [smem:$0x3FDB];
	_ =	sdelay $0x1  }
0x99: {  	s4 =	simm.s32 $_scs_section_size  }
0x9a: {  	s5 =	simm.s32 $_size__tile_overlayer_lowered;
	s6 =	simm.s32 $_tile_overlayer_lowered  }
0x9b: {  	s22 =	simm.s32 $0x1BFF;
	s21 =	sshll.u32 s6, $0x1;
	s3 =	sadd.s32 s4, s19  }
0x9c: {  	s7 =	simm.s32 $0x0;
	s20 =	sshll.u32 s5, $0x1;
	s5 =	sadd.s32 s21, s3  }
0x9d: {  	[timem:s7], [sflag:s22] =	dma.local [hbm:s5], s20  }
0x9e: {  	_ =	swait.ge [sflag:s22], s20  }
0x9f: {  	s4 =	ssub.s32 $0x0, s20;
	[sflag:s22] =	ssyncset.done $0x0  }
0xa0: {  	[sflag:s22] =	ssyncadd.s32 s4;
	_ =	sdelay $0x1  }
0xa1: {  	s23 =	simm.s32 $0x1B8B  }
0xa2: {  	_ =	swait.ge [sflag:s23], $0x1  }
0xa3: {  	[sflag:s23] =	ssyncset.done $0x0  }
0xa4: {  	s25 =	simm.s32 $0x1B8E;
	s24 =	sld [smem:$0x3FFE];
	[sflag:s23] =	ssyncadd.s32 $0xFFFFFFFF  }
0xa5: {  	s26 =	simm.s32 $execute0_lowered;
	[smem:$0x3FD2] =	sst s25  }
0xa6: {  	s5 =	sshll.u32 s26, $0x1;
	_ =	strace $0x80000046;
	[dreg:$0x1] =	wrdreg $0xFFFFFFFF  }
0xa7: {  	s28 =	simm.s32 $_size_execute0_lowered;
	s3 =	sadd.s32 s3, s5;
	[dreg:$0x0] =	wrdreg $0x0  }
0xa8: {  	s5 =	sshll.u32 s28, $0x1;
	[dreg:$0x2] =	wrdreg s3  }
0xa9: {  	[dreg:$0x3] =	wrdreg s5  }
0xaa: {  	[dreg:$0x4] =	wrdreg $0xC0  }
0xab: {  	_ =	task [dreg:s7], $0x5FFFF  }
0xac: {  	[dreg:$0x1] =	wrdreg $0xFFFFFFFF  }
0xad: {  	[dreg:$0x0] =	wrdreg $0x60  }
0xae: {  	[dreg:$0x2] =	wrdreg s2  }
0xaf: {  	[dreg:$0x3] =	wrdreg s24  }
0xb0: {  	[dreg:$0x4] =	wrdreg $0x9  }
0xb1: {  	_ =	task.clear_ibuf [dreg:s7], $0x5FFFF;
	_ =	strace $0x90000046  }
0xb2: {  	s29 =	simm.s32 $0x9;
	_ =	strace $0x80000048  }
0xb3: {  	_ =	swait.ge [sflag:s29], $0x1  }
0xb4: {  	[sflag:s29] =	ssyncadd.s32 $0xFFFFFFFF  }
0xb5: {  	_ =	strace $0x90000048  }
0xb6: {  	_ =	sfence  }
0xb7: {  	s30 =	sld [smem:$0x0];
	_ =	sdelay $0x2  }
0xb8: {  	s31 =	sshll.u32 s1, $0xD;
	s1 =	sshrl.u32 s1, $0x2  }
0xb9: {  	s3 =	sand.u32 $0x4000, s31;
	s1 =	sadd.s32 s1, s30  }
0xba: {  	s0 =	sor.u32 s3, s0;
	s1 =	sshll.u32 s1, $0x11  }
0xbb: {  	s0 =	sor.u32 s1, s0  }
0xbc: {  	s0 =	sadd.s32 $0x8F2B, s0  }
0xbd: {  	[sflag:s0] =	ssyncadd.remote.s32 $0x1  }
0xbe: {  	_ =	sfence.sel $0xFFFF  }
0xbf: {  	[dreg:$0x0] =	wrdreg $0xFFFFFFFF;
	(pc) =	sbr.abs _section_cstart, $3  }
0xc0: {  	[dreg:$0x1] =	wrdreg $0xFFFFFFFF  }
0xc1: {  	_ =	task.clear_ibuf [dreg:s7], $0x2FFFF;
	_ =	strace $0x9FFFFFFF  }
0xc2: {  	(tm) =	ssettm $0x7FFFFFFF  }
0xc3: {  	_ =	shalt  }
tec
execute0_lowered:
.L_overlay_start_1:
0x0: {  	(tag) =	ssettag $0x1  }
0x1: {  	s1 =	srdreg.scid  }
0x2: {  	s0 =	stileid.u32;
	s12 =	sand.u32 $0x1, s1  }
0x3: {  	s2 =	rddreg [dreg:$0x0];
	s31 =	sshll.u32 s0, $0xA;
	s3 =	sshll.u32 s12, $0x9  }
0x4: {  	s10 =	rddreg [dreg:$0x1];
	s11 =	sor.u32 s3, s31  }
0x5: {  	s1 =	rddreg [dreg:$0x2];
	s3 =	simm.s32 $0x0;
	s4 =	sshrl.u32 s11, $0x3  }
0x6: {  	[smem:$0x7FF] =	sst s3;
	s4 =	sadd.s32 s4, s10  }
0x7: {  	_ =	strace $0x80000047;
	s5 =	sadd.s32 $0xA00, s4;
	s4 =	simm.s32 $0x2  }
0x8: {  	[tilespmem:s3], [sflag:$0x2] =	stream.linear.gather [hbm4b:s5+s3], $0x200, $0x38;
	[tilespmem:$0x8200] =	vst v63  }
0x9: {  	_ =	swait.ge [sflag:s4], $0x200  }
0xa: {  	s6 =	simm.s32 $0x80;
	[sflag:s4] =	ssyncset.done $0x0  }
0xb: {  	s7 =	simm.s32 $0x200;
	s8 =	simm.s32 $0x1;
	[sflag:s4] =	ssyncadd.s32 $0xFFFFFE00  }
0xc: {  	[tilespmem:s7], [sflag:$0x1] =	stream.indirect.gather [hbm4b:s2+s6], $0x80, s3, s6, $0xb8;
	[tilespmem:$0x8200] =	vst v63  }
0xd: {  	_ =	swait.ge [sflag:s8], $0x4000  }
0xe: {  	[sflag:s8] =	ssyncset.done $0x0  }
0xf: {  	s9 =	simm.s32 $0x4200;
	[sflag:s8] =	ssyncadd.s32 $0xFFFFC000  }
0x10: {  	[tilespmem:s9], [sflag:$0x1] =	stream.indirect.gather [hbm4b:s2+s6], $0x80, s6, s6, $0xb8;
	[tilespmem:$0x8200] =	vst v63  }
0x11: {  	s11 =	sshll.u32 s11, $0x4;
	_ =	swait.ge [sflag:s8], $0x4000  }
0x12: {  	s13 =	sadd.s32 s11, s10;
	[sflag:s8] =	ssyncset.done $0x0  }
0x13: {  	s10 =	sadd.s32 $0x1200, s13;
	[sflag:s8] =	ssyncadd.s32 $0xFFFFC000  }
0x14: {  	[hbm4b:s10+s3] =	stream.linear.scatter [tilespmem:s7], [sflag:$0x2], $0x8000, $0x38;
	[tilespmem:$0x8200] =	vst v63  }
0x15: {  	_ =	swait.ge [sflag:s4], $0x8000  }
0x16: {  	[sflag:s4] =	ssyncset.done $0x0  }
0x17: {  	s14 =	ssub.s32 $0x2, s12;
	s11 =	simm.s32 $0x100;
	[sflag:s4] =	ssyncadd.s32 $0xFFFF8000  }
0x18: {  	[tilespmem:s7], [sflag:$0x1] =	stream.indirect.gather [hbm4b:s2+s6], $0x80, s11, s6, $0xb8;
	[tilespmem:$0x8200] =	vst v63  }
0x19: {  	s15 =	sshrl.u32 s14, $0x1;
	_ =	swait.ge [sflag:s8], $0x4000  }
0x1a: {  	s14 =	ssub.s32 s14, s15;
	[sflag:s8] =	ssyncset.done $0x0  }
0x1b: {  	s12 =	simm.s32 $0x180;
	s14 =	smax.u32 s14, $0x1;
	[sflag:s8] =	ssyncadd.s32 $0xFFFFC000  }
0x1c: {  	[tilespmem:s9], [sflag:$0x1] =	stream.indirect.gather [hbm4b:s2+s6], $0x80, s12, s6, $0xb8;
	[tilespmem:$0x8200] =	vst v63  }
0x1d: {  	p0 =	sne.s32 s14, $0x1;
	_ =	swait.ge [sflag:s8], $0x4000  }
.Ltmp0:
0x1e: {  	[sflag:s8] =	ssyncset.done $0x0;
	(pc) =	sbr.rel @!p0 .LBB2_2-.Ltmp0, $4  }
0x1f: {  	s13 =	sadd.s32 $0x2200, s13;
	[sflag:s8] =	ssyncadd.s32 $0xFFFFC000  }
0x20: {  	[hbm4b:s13+s3] =	stream.linear.scatter [tilespmem:s7], [sflag:$0x2], $0x8000, $0x38;
	[tilespmem:$0x8200] =	vst v63  }
0x21: {  	_ =	swait.ge [sflag:s4], $0x8000  }
0x22: {  	s14 =	sadd.s32 $0xFFFFFFFF, s14;
	[sflag:s4] =	ssyncset.done $0x0  }
.LBB2_1:
0x23: {  	p0 =	sne.s32 s14, $0x1;
	s14 =	sadd.s32 $0xFFFFFFFF, s14;
	[sflag:s4] =	ssyncadd.s32 $0xFFFF8000  }
0x24: {  	[tilespmem:s3], [sflag:$0x2] =	stream.linear.gather [hbm4b:s5+s3], $0x200, $0x38;
	[tilespmem:$0x8200] =	vst v63  }
0x25: {  	_ =	swait.ge [sflag:s4], $0x200  }
0x26: {  	[sflag:s4] =	ssyncset.done $0x0  }
0x27: {  	[sflag:s4] =	ssyncadd.s32 $0xFFFFFE00  }
0x28: {  	[tilespmem:s7], [sflag:$0x1] =	stream.indirect.gather [hbm4b:s2+s6], $0x80, s3, s6, $0xb8;
	[tilespmem:$0x8200] =	vst v63  }
0x29: {  	_ =	swait.ge [sflag:s8], $0x4000  }
0x2a: {  	[sflag:s8] =	ssyncset.done $0x0  }
0x2b: {  	[sflag:s8] =	ssyncadd.s32 $0xFFFFC000  }
0x2c: {  	[tilespmem:s9], [sflag:$0x1] =	stream.indirect.gather [hbm4b:s2+s6], $0x80, s6, s6, $0xb8;
	[tilespmem:$0x8200] =	vst v63  }
0x2d: {  	_ =	swait.ge [sflag:s8], $0x4000  }
0x2e: {  	[sflag:s8] =	ssyncset.done $0x0  }
0x2f: {  	[sflag:s8] =	ssyncadd.s32 $0xFFFFC000  }
0x30: {  	[hbm4b:s10+s3] =	stream.linear.scatter [tilespmem:s7], [sflag:$0x2], $0x8000, $0x38;
	[tilespmem:$0x8200] =	vst v63  }
0x31: {  	_ =	swait.ge [sflag:s4], $0x8000  }
0x32: {  	[sflag:s4] =	ssyncset.done $0x0  }
0x33: {  	[sflag:s4] =	ssyncadd.s32 $0xFFFF8000  }
0x34: {  	[tilespmem:s7], [sflag:$0x1] =	stream.indirect.gather [hbm4b:s2+s6], $0x80, s11, s6, $0xb8;
	[tilespmem:$0x8200] =	vst v63  }
0x35: {  	_ =	swait.ge [sflag:s8], $0x4000  }
0x36: {  	[sflag:s8] =	ssyncset.done $0x0  }
0x37: {  	[sflag:s8] =	ssyncadd.s32 $0xFFFFC000  }
0x38: {  	[tilespmem:s9], [sflag:$0x1] =	stream.indirect.gather [hbm4b:s2+s6], $0x80, s12, s6, $0xb8;
	[tilespmem:$0x8200] =	vst v63  }
0x39: {  	_ =	swait.ge [sflag:s8], $0x4000  }
.Ltmp1:
0x3a: {  	[sflag:s8] =	ssyncset.done $0x0;
	(pc) =	sbr.rel @p0 .LBB2_1-.Ltmp1, $4  }
0x3b: {  	[sflag:s8] =	ssyncadd.s32 $0xFFFFC000  }
0x3c: {  	[hbm4b:s13+s3] =	stream.linear.scatter [tilespmem:s7], [sflag:$0x2], $0x8000, $0x38;
	[tilespmem:$0x8200] =	vst v63  }
0x3d: {  	_ =	swait.ge [sflag:s4], $0x8000  }
0x3e: {  	[sflag:s4] =	ssyncset.done $0x0  }
.LBB2_2:
0x3f: {  	[sflag:s4] =	ssyncadd.s32 $0xFFFF8000  }
0x40: {  	_ =	sfence.sel $0x180000  }
0x41: {  	[bflag:$0x0] =	sbarrier.arrive $0xFFFF  }
0x42: {  	p0 =	sne.s32 s0, $0x0;
	_ =	strace $0x90000047  }
0x43: {  	s0 =	sadd.s32 @!p0 $0x100000, s1;
	[bflag:$0x2] =	sbarrier.arrive $0xFFFF  }
0x44: {  	[sflag:s0] =	ssyncadd.tile.s32 @!p0 $0x1;
	_ =	shalt  }
.Lfunc_end2:
_tile_overlayer_lowered:
.L_overlay_start_2:
0x45: {  	(tag) =	ssettag $0x2  }
0x46: {  	s0 =	rddreg [dreg:$0x0];
	s2 =	stileid.u32  }
0x47: {  	s1 =	rddreg [dreg:$0x1];
	p0 =	sne.s32 s2, $0x0  }
0x48: {  	s3 =	rddreg [dreg:$0x2];
	[bflag:$0x3] =	sbarrier.arrive $0xFFFF;
	s2 =	simm.s32 @!p0 $0x1C02  }
0x49: {  	[timem:s3], [sflag:s2] =	dma.local @!p0 [hbm:s0], s1  }
0x4a: {  	s0 =	simm.s32 @!p0 $0x2  }
0x4b: {  	_ =	swait.ge @!p0 [sflag:s0], s1  }
0x4c: {  	s1 =	ssub.s32 @!p0 $0x0, s1;
	[sflag:s0] =	ssyncset.done @!p0 $0x0  }
0x4d: {  	[sflag:s0] =	ssyncadd.s32 @!p0 s1  }
0x4e: {  	[bflag:$0x3] =	sbarrier.arrive $0xFFFF  }
0x4f: {  	_ =	shalt  }

</sc_bundles>
